<compile_context>
chip_gen: v7x
topology: tpu7x:2x2x1
jax: 0.10.2.dev20260603
libtpu: 0.0.44.dev20260713+nightly
codegen_flags: <defaults>
</compile_context>

<pallas_src>
import jax
import jax.numpy as jnp
from jax import lax
from jax.experimental import pallas as pl
from jax.experimental.pallas import tpu as pltpu
from jax.experimental.pallas import tpu_sc as plsc

_NW = 32
_CHUNK = 3200
_TAIL = 768
_NODES_SC = _CHUNK * (_NW - 1) + _TAIL


def _sc_body(tid_hbm, mesh_hbm, emb_hbm, out_hbm,
             idxv, ebuf, mb0, mb1, mb2, obuf, se, s0, s1, s2):
    w = lax.axis_index("s") * 2 + lax.axis_index("c")
    pltpu.sync_copy(tid_hbm, idxv)
    base = w * _CHUNK
    mbufs = (mb0, mb1, mb2)
    sems = (s0, s1, s2)

    @pl.when(w < _NW - 1)
    def _in_full():
        ce = pltpu.async_copy(
            emb_hbm.at[idxv, pl.ds(3 * base, 3 * _CHUNK)], ebuf, se
        )
        cs = [
            pltpu.async_copy(
                mesh_hbm.at[c].at[idxv, pl.ds(base, _CHUNK)], mbufs[c], sems[c]
            )
            for c in range(3)
        ]
        ce.wait()
        for h in cs:
            h.wait()

    @pl.when(w == _NW - 1)
    def _in_tail():
        ce = pltpu.async_copy(
            emb_hbm.at[idxv, pl.ds(3 * base, 3 * _TAIL)],
            ebuf.at[:, pl.ds(0, 3 * _TAIL)],
            se,
        )
        cs = [
            pltpu.async_copy(
                mesh_hbm.at[c].at[idxv, pl.ds(base, _TAIL)],
                mbufs[c].at[:, pl.ds(0, _TAIL)],
                sems[c],
            )
            for c in range(3)
        ]
        ce.wait()
        for h in cs:
            h.wait()

    lanes = lax.iota(jnp.int32, 16)
    zeros = lanes * 0
    n_it = jnp.where(w == _NW - 1, _TAIL // 16, _CHUNK // 16)

    def body(v, carry):
        off = v * 16
        for c in range(3):
            idx = lanes * 3 + (off * 3 + c)
            ev = plsc.load_gather(ebuf, [zeros, idx])
            mv = mbufs[c][0, pl.ds(off, 16)]
            obuf[c, pl.ds(off, 16)] = ev + mv
        return carry

    lax.fori_loop(0, n_it, body, 0)

    @pl.when(w < _NW - 1)
    def _out_full():
        pltpu.sync_copy(obuf, out_hbm.at[:, pl.ds(base, _CHUNK)])

    @pl.when(w == _NW - 1)
    def _out_tail():
        pltpu.sync_copy(
            obuf.at[:, pl.ds(0, _TAIL)],
            out_hbm.at[:, pl.ds(base, _TAIL)],
        )


@jax.jit
def _run(time_vector, mesh_t, embedding_weight):
    _, n_times, n_nodes = mesh_t.shape
    time_id = jnp.round(time_vector[0, 0] * (n_times - 1)).astype(jnp.int32)
    tid1 = time_id[None]

    kern = pl.kernel(
        _sc_body,
        mesh=plsc.VectorSubcoreMesh(core_axis_name="c", subcore_axis_name="s"),
        out_type=jax.ShapeDtypeStruct((3, n_nodes), jnp.float32),
        compiler_params=pltpu.CompilerParams(needs_layout_passes=False),
        scratch_types=[
            pltpu.VMEM((1,), jnp.int32),
            pltpu.VMEM((1, 3 * _CHUNK), jnp.float32),
            pltpu.VMEM((1, _CHUNK), jnp.float32),
            pltpu.VMEM((1, _CHUNK), jnp.float32),
            pltpu.VMEM((1, _CHUNK), jnp.float32),
            pltpu.VMEM((3, _CHUNK), jnp.float32),
            pltpu.SemaphoreType.DMA,
            pltpu.SemaphoreType.DMA,
            pltpu.SemaphoreType.DMA,
            pltpu.SemaphoreType.DMA,
        ],
    )
    out = kern(tid1, mesh_t, embedding_weight)

    tm = lax.dynamic_slice(mesh_t, (0, time_id, _NODES_SC), (3, 1, 32))[:, 0, :]
    te = lax.dynamic_slice(embedding_weight, (time_id, 3 * _NODES_SC), (1, 96))
    tail = tm + te.reshape(32, 3).T
    return lax.dynamic_update_slice(out, tail, (0, _NODES_SC))


def kernel(time_vector, mesh_predictions, embedding_weight):
    mesh_t = jnp.transpose(mesh_predictions, (2, 0, 1))
    out = _run(time_vector, mesh_t, embedding_weight)
    return out.T

# --- scband reference (transcript-rebuilt; emitter-appended) ---
"""Pipeline reference for scband-residual-mesh-simulator-embedding-45947560132786 (READ-ONLY COPY).

The authoritative reference and input builder live on the scoring server;
editing this copy changes nothing except your own understanding.
"""

import jax, jax.numpy as jnp
import numpy as np

N_TIMES = 101
N_NODES = 100000


def setup_inputs(seed: int = 0) -> dict:
    key = jax.random.key(seed)
    k1, k2, k3 = jax.random.split(key, 3)
    time_vector = jax.random.uniform(k1, (1, 1), dtype=jnp.float32)
    mesh_predictions = jax.random.normal(k2, (N_TIMES, N_NODES, 3), dtype=jnp.float32)
    embedding_weight = jax.random.normal(k3, (N_TIMES, N_NODES * 3), dtype=jnp.float32) * 0.001
    return {"time_vector": time_vector, "mesh_predictions": mesh_predictions, "embedding_weight": embedding_weight}


def reference(time_vector, mesh_predictions, embedding_weight):
    n_times = mesh_predictions.shape[0]
    time_delta = 1.0 / (n_times - 1)
    time = time_vector[0, :]
    time_id = jnp.round(time / time_delta).astype(jnp.int32)
    residual_deform = jnp.take(embedding_weight, time_id, axis=0).reshape(-1, 3)
    return jnp.squeeze(jnp.take(mesh_predictions, time_id, axis=0)) + residual_deform

if __name__ == "__main__":
    import jax
    _d = setup_inputs()
    print(jax.jit(kernel)(*tuple(_d.values())))

</pallas_src>

<mosaic_0001>
#map = affine_map<(d0, d1) -> (0)>
#map1 = affine_map<(d0, d1) -> (0, 0, 0)>
#map2 = affine_map<(d0, d1) -> (0, 0)>
module attributes {stable_mosaic.version = 14 : i64} {
  func.func @_sc_body(%arg0: i32, %arg1: i32, %arg2: memref<1xi32, #tpu.memory_space<hbm>>, %arg3: memref<3x101x100000xf32, #tpu.memory_space<hbm>>, %arg4: memref<101x300000xf32, #tpu.memory_space<hbm>>, %arg5: memref<3x100000xf32, #tpu.memory_space<hbm>>, %arg6: memref<1xi32, #tpu.memory_space<vmem>>, %arg7: memref<1x9600xf32, #tpu.memory_space<vmem>>, %arg8: memref<1x3200xf32, #tpu.memory_space<vmem>>, %arg9: memref<1x3200xf32, #tpu.memory_space<vmem>>, %arg10: memref<1x3200xf32, #tpu.memory_space<vmem>>, %arg11: memref<3x3200xf32, #tpu.memory_space<vmem>>, %arg12: memref<!tpu.dma_semaphore, #tpu.memory_space<semaphore_mem>>, %arg13: memref<!tpu.dma_semaphore, #tpu.memory_space<semaphore_mem>>, %arg14: memref<!tpu.dma_semaphore, #tpu.memory_space<semaphore_mem>>, %arg15: memref<!tpu.dma_semaphore, #tpu.memory_space<semaphore_mem>>) attributes {dimension_semantics = [#tpu.dimension_semantics<core_parallel>, #tpu.dimension_semantics<subcore_parallel>], iteration_bounds = array<i64: 2, 16>, scalar_prefetch = 0 : i64, scratch_operands = 10 : i64, tpu.core_type = #tpu.core_type<sc_vector_subcore>, window_params = [{transform_indices = #map}, {transform_indices = #map1}, {transform_indices = #map2}, {transform_indices = #map2}]} {
    %mul3A = arith.constant 2 : i32
    %mul3A_0 = arith.muli %arg1, %mul3A : i32
    %add3A = arith.addi %mul3A_0, %arg0 : i32
    "tpu.region"() ({
      %run_scoped3A = tpu.sem_alloc : memref<!tpu.dma_semaphore, #tpu.memory_space<semaphore_mem>>
      tpu.enqueue_dma source(%arg2 : memref<1xi32, #tpu.memory_space<hbm>>) target(%arg6 : memref<1xi32, #tpu.memory_space<vmem>>) target_semaphore(%run_scoped3A : memref<!tpu.dma_semaphore, #tpu.memory_space<semaphore_mem>>)
      tpu.wait_dma2 semaphore(%run_scoped3A : memref<!tpu.dma_semaphore, #tpu.memory_space<semaphore_mem>>) src(%arg2 : memref<1xi32, #tpu.memory_space<hbm>>) dst(%arg6 : memref<1xi32, #tpu.memory_space<vmem>>)
      tpu.yield
    }) : () -> ()
    %mul3A_1 = arith.constant 3200 : i32
    %mul3A_2 = arith.muli %add3A, %mul3A_1 : i32
    %lt3A = arith.constant 31 : i32
    %lt3A_3 = arith.cmpi slt, %add3A, %lt3A : i32
    %convert_element_type3A = arith.extui %lt3A_3 : i1 to i32
    %cond3A = arith.constant 0 : i32
    %cond3A_4 = arith.cmpi ne, %convert_element_type3A, %cond3A : i32
    scf.if %cond3A_4 {
      %mul3A_34 = arith.constant 3 : i32
      %mul3A_35 = arith.muli %mul3A_34, %mul3A_2 : i32
      %dma_start3A = arith.constant 0 : i32
      %dma_start3A_36 = tpu.memref_slice %arg4[%dma_start3A, %mul3A_35] : memref<101x300000xf32, #tpu.memory_space<hbm>> -> memref<101x9600xf32, #tpu.memory_space<hbm>>
      tpu.enqueue_indirect_dma source(%dma_start3A_36 : memref<101x9600xf32, #tpu.memory_space<hbm>>) target(%arg7 : memref<1x9600xf32, #tpu.memory_space<vmem>>) offsets(%arg6 : memref<1xi32, #tpu.memory_space<vmem>>) semaphore(%arg12 : memref<!tpu.dma_semaphore, #tpu.memory_space<semaphore_mem>>)
      %dma_start3A_37 = arith.constant 0 : i32
      %dma_start3A_38 = arith.constant 0 : i32
      %dma_start3A_39 = arith.constant 0 : i32
      %dma_start3A_40 = tpu.memref_slice %arg3[%dma_start3A_37, %dma_start3A_38, %dma_start3A_39] : memref<3x101x100000xf32, #tpu.memory_space<hbm>> -> memref<1x101x100000xf32, #tpu.memory_space<hbm>>
      %dma_start3A_41 = tpu.memref_squeeze %dma_start3A_40 : memref<1x101x100000xf32, #tpu.memory_space<hbm>> -> memref<101x100000xf32, #tpu.memory_space<hbm>>
      %dma_start3A_42 = arith.constant 0 : i32
      %dma_start3A_43 = tpu.memref_slice %dma_start3A_41[%dma_start3A_42, %mul3A_2] : memref<101x100000xf32, #tpu.memory_space<hbm>> -> memref<101x3200xf32, #tpu.memory_space<hbm>>
      tpu.enqueue_indirect_dma source(%dma_start3A_43 : memref<101x3200xf32, #tpu.memory_space<hbm>>) target(%arg8 : memref<1x3200xf32, #tpu.memory_space<vmem>>) offsets(%arg6 : memref<1xi32, #tpu.memory_space<vmem>>) semaphore(%arg13 : memref<!tpu.dma_semaphore, #tpu.memory_space<semaphore_mem>>)
      %dma_start3A_44 = arith.constant 1 : i32
      %dma_start3A_45 = arith.constant 0 : i32
      %dma_start3A_46 = arith.constant 0 : i32
      %dma_start3A_47 = tpu.memref_slice %arg3[%dma_start3A_44, %dma_start3A_45, %dma_start3A_46] : memref<3x101x100000xf32, #tpu.memory_space<hbm>> -> memref<1x101x100000xf32, #tpu.memory_space<hbm>>
      %dma_start3A_48 = tpu.memref_squeeze %dma_start3A_47 : memref<1x101x100000xf32, #tpu.memory_space<hbm>> -> memref<101x100000xf32, #tpu.memory_space<hbm>>
      %dma_start3A_49 = arith.constant 0 : i32
      %dma_start3A_50 = tpu.memref_slice %dma_start3A_48[%dma_start3A_49, %mul3A_2] : memref<101x100000xf32, #tpu.memory_space<hbm>> -> memref<101x3200xf32, #tpu.memory_space<hbm>>
      tpu.enqueue_indirect_dma source(%dma_start3A_50 : memref<101x3200xf32, #tpu.memory_space<hbm>>) target(%arg9 : memref<1x3200xf32, #tpu.memory_space<vmem>>) offsets(%arg6 : memref<1xi32, #tpu.memory_space<vmem>>) semaphore(%arg14 : memref<!tpu.dma_semaphore, #tpu.memory_space<semaphore_mem>>)
      %dma_start3A_51 = arith.constant 2 : i32
      %dma_start3A_52 = arith.constant 0 : i32
      %dma_start3A_53 = arith.constant 0 : i32
      %dma_start3A_54 = tpu.memref_slice %arg3[%dma_start3A_51, %dma_start3A_52, %dma_start3A_53] : memref<3x101x100000xf32, #tpu.memory_space<hbm>> -> memref<1x101x100000xf32, #tpu.memory_space<hbm>>
      %dma_start3A_55 = tpu.memref_squeeze %dma_start3A_54 : memref<1x101x100000xf32, #tpu.memory_space<hbm>> -> memref<101x100000xf32, #tpu.memory_space<hbm>>
      %dma_start3A_56 = arith.constant 0 : i32
      %dma_start3A_57 = tpu.memref_slice %dma_start3A_55[%dma_start3A_56, %mul3A_2] : memref<101x100000xf32, #tpu.memory_space<hbm>> -> memref<101x3200xf32, #tpu.memory_space<hbm>>
      tpu.enqueue_indirect_dma source(%dma_start3A_57 : memref<101x3200xf32, #tpu.memory_space<hbm>>) target(%arg10 : memref<1x3200xf32, #tpu.memory_space<vmem>>) offsets(%arg6 : memref<1xi32, #tpu.memory_space<vmem>>) semaphore(%arg15 : memref<!tpu.dma_semaphore, #tpu.memory_space<semaphore_mem>>)
      %dma_wait3A = arith.constant 0 : i32
      %dma_wait3A_58 = tpu.memref_slice %arg4[%dma_wait3A, %mul3A_35] : memref<101x300000xf32, #tpu.memory_space<hbm>> -> memref<101x9600xf32, #tpu.memory_space<hbm>>
      tpu.wait_indirect_dma semaphore(%arg12 : memref<!tpu.dma_semaphore, #tpu.memory_space<semaphore_mem>>) src(%dma_wait3A_58 : memref<101x9600xf32, #tpu.memory_space<hbm>>) dst(%arg7 : memref<1x9600xf32, #tpu.memory_space<vmem>>)
      %dma_wait3A_59 = arith.constant 0 : i32
      %dma_wait3A_60 = arith.constant 0 : i32
      %dma_wait3A_61 = arith.constant 0 : i32
      %dma_wait3A_62 = tpu.memref_slice %arg3[%dma_wait3A_59, %dma_wait3A_60, %dma_wait3A_61] : memref<3x101x100000xf32, #tpu.memory_space<hbm>> -> memref<1x101x100000xf32, #tpu.memory_space<hbm>>
      %dma_wait3A_63 = tpu.memref_squeeze %dma_wait3A_62 : memref<1x101x100000xf32, #tpu.memory_space<hbm>> -> memref<101x100000xf32, #tpu.memory_space<hbm>>
      %dma_wait3A_64 = arith.constant 0 : i32
      %dma_wait3A_65 = tpu.memref_slice %dma_wait3A_63[%dma_wait3A_64, %mul3A_2] : memref<101x100000xf32, #tpu.memory_space<hbm>> -> memref<101x3200xf32, #tpu.memory_space<hbm>>
      tpu.wait_indirect_dma semaphore(%arg13 : memref<!tpu.dma_semaphore, #tpu.memory_space<semaphore_mem>>) src(%dma_wait3A_65 : memref<101x3200xf32, #tpu.memory_space<hbm>>) dst(%arg8 : memref<1x3200xf32, #tpu.memory_space<vmem>>)
      %dma_wait3A_66 = arith.constant 1 : i32
      %dma_wait3A_67 = arith.constant 0 : i32
      %dma_wait3A_68 = arith.constant 0 : i32
      %dma_wait3A_69 = tpu.memref_slice %arg3[%dma_wait3A_66, %dma_wait3A_67, %dma_wait3A_68] : memref<3x101x100000xf32, #tpu.memory_space<hbm>> -> memref<1x101x100000xf32, #tpu.memory_space<hbm>>
      %dma_wait3A_70 = tpu.memref_squeeze %dma_wait3A_69 : memref<1x101x100000xf32, #tpu.memory_space<hbm>> -> memref<101x100000xf32, #tpu.memory_space<hbm>>
      %dma_wait3A_71 = arith.constant 0 : i32
      %dma_wait3A_72 = tpu.memref_slice %dma_wait3A_70[%dma_wait3A_71, %mul3A_2] : memref<101x100000xf32, #tpu.memory_space<hbm>> -> memref<101x3200xf32, #tpu.memory_space<hbm>>
      tpu.wait_indirect_dma semaphore(%arg14 : memref<!tpu.dma_semaphore, #tpu.memory_space<semaphore_mem>>) src(%dma_wait3A_72 : memref<101x3200xf32, #tpu.memory_space<hbm>>) dst(%arg9 : memref<1x3200xf32, #tpu.memory_space<vmem>>)
      %dma_wait3A_73 = arith.constant 2 : i32
      %dma_wait3A_74 = arith.constant 0 : i32
      %dma_wait3A_75 = arith.constant 0 : i32
      %dma_wait3A_76 = tpu.memref_slice %arg3[%dma_wait3A_73, %dma_wait3A_74, %dma_wait3A_75] : memref<3x101x100000xf32, #tpu.memory_space<hbm>> -> memref<1x101x100000xf32, #tpu.memory_space<hbm>>
      %dma_wait3A_77 = tpu.memref_squeeze %dma_wait3A_76 : memref<1x101x100000xf32, #tpu.memory_space<hbm>> -> memref<101x100000xf32, #tpu.memory_space<hbm>>
      %dma_wait3A_78 = arith.constant 0 : i32
      %dma_wait3A_79 = tpu.memref_slice %dma_wait3A_77[%dma_wait3A_78, %mul3A_2] : memref<101x100000xf32, #tpu.memory_space<hbm>> -> memref<101x3200xf32, #tpu.memory_space<hbm>>
      tpu.wait_indirect_dma semaphore(%arg15 : memref<!tpu.dma_semaphore, #tpu.memory_space<semaphore_mem>>) src(%dma_wait3A_79 : memref<101x3200xf32, #tpu.memory_space<hbm>>) dst(%arg10 : memref<1x3200xf32, #tpu.memory_space<vmem>>)
    } else {
    }
    %eq3A = arith.constant 31 : i32
    %eq3A_5 = arith.cmpi eq, %add3A, %eq3A : i32
    %convert_element_type3A_6 = arith.extui %eq3A_5 : i1 to i32
    %cond3A_7 = arith.constant 0 : i32
    %cond3A_8 = arith.cmpi ne, %convert_element_type3A_6, %cond3A_7 : i32
    scf.if %cond3A_8 {
      %mul3A_34 = arith.constant 3 : i32
      %mul3A_35 = arith.muli %mul3A_34, %mul3A_2 : i32
      %dma_start3A = arith.constant 0 : i32
      %dma_start3A_36 = arith.constant 0 : i32
      %dma_start3A_37 = tpu.memref_slice %arg7[%dma_start3A, %dma_start3A_36] : memref<1x9600xf32, #tpu.memory_space<vmem>> -> memref<1x2304xf32, #tpu.memory_space<vmem>>
      %dma_start3A_38 = arith.constant 0 : i32
      %dma_start3A_39 = tpu.memref_slice %arg4[%dma_start3A_38, %mul3A_35] : memref<101x300000xf32, #tpu.memory_space<hbm>> -> memref<101x2304xf32, #tpu.memory_space<hbm>>
      tpu.enqueue_indirect_dma source(%dma_start3A_39 : memref<101x2304xf32, #tpu.memory_space<hbm>>) target(%dma_start3A_37 : memref<1x2304xf32, #tpu.memory_space<vmem>>) offsets(%arg6 : memref<1xi32, #tpu.memory_space<vmem>>) semaphore(%arg12 : memref<!tpu.dma_semaphore, #tpu.memory_space<semaphore_mem>>)
      %dma_start3A_40 = arith.constant 0 : i32
      %dma_start3A_41 = arith.constant 0 : i32
      %dma_start3A_42 = arith.constant 0 : i32
      %dma_start3A_43 = tpu.memref_slice %arg8[%dma_start3A_41, %dma_start3A_42] : memref<1x3200xf32, #tpu.memory_space<vmem>> -> memref<1x768xf32, #tpu.memory_space<vmem>>
      %dma_start3A_44 = arith.constant 0 : i32
      %dma_start3A_45 = arith.constant 0 : i32
      %dma_start3A_46 = tpu.memref_slice %arg3[%dma_start3A_40, %dma_start3A_44, %dma_start3A_45] : memref<3x101x100000xf32, #tpu.memory_space<hbm>> -> memref<1x101x100000xf32, #tpu.memory_space<hbm>>
      %dma_start3A_47 = tpu.memref_squeeze %dma_start3A_46 : memref<1x101x100000xf32, #tpu.memory_space<hbm>> -> memref<101x100000xf32, #tpu.memory_space<hbm>>
      %dma_start3A_48 = arith.constant 0 : i32
      %dma_start3A_49 = tpu.memref_slice %dma_start3A_47[%dma_start3A_48, %mul3A_2] : memref<101x100000xf32, #tpu.memory_space<hbm>> -> memref<101x768xf32, #tpu.memory_space<hbm>>
      tpu.enqueue_indirect_dma source(%dma_start3A_49 : memref<101x768xf32, #tpu.memory_space<hbm>>) target(%dma_start3A_43 : memref<1x768xf32, #tpu.memory_space<vmem>>) offsets(%arg6 : memref<1xi32, #tpu.memory_space<vmem>>) semaphore(%arg13 : memref<!tpu.dma_semaphore, #tpu.memory_space<semaphore_mem>>)
      %dma_start3A_50 = arith.constant 1 : i32
      %dma_start3A_51 = arith.constant 0 : i32
      %dma_start3A_52 = arith.constant 0 : i32
      %dma_start3A_53 = tpu.memref_slice %arg9[%dma_start3A_51, %dma_start3A_52] : memref<1x3200xf32, #tpu.memory_space<vmem>> -> memref<1x768xf32, #tpu.memory_space<vmem>>
      %dma_start3A_54 = arith.constant 0 : i32
      %dma_start3A_55 = arith.constant 0 : i32
      %dma_start3A_56 = tpu.memref_slice %arg3[%dma_start3A_50, %dma_start3A_54, %dma_start3A_55] : memref<3x101x100000xf32, #tpu.memory_space<hbm>> -> memref<1x101x100000xf32, #tpu.memory_space<hbm>>
      %dma_start3A_57 = tpu.memref_squeeze %dma_start3A_56 : memref<1x101x100000xf32, #tpu.memory_space<hbm>> -> memref<101x100000xf32, #tpu.memory_space<hbm>>
      %dma_start3A_58 = arith.constant 0 : i32
      %dma_start3A_59 = tpu.memref_slice %dma_start3A_57[%dma_start3A_58, %mul3A_2] : memref<101x100000xf32, #tpu.memory_space<hbm>> -> memref<101x768xf32, #tpu.memory_space<hbm>>
      tpu.enqueue_indirect_dma source(%dma_start3A_59 : memref<101x768xf32, #tpu.memory_space<hbm>>) target(%dma_start3A_53 : memref<1x768xf32, #tpu.memory_space<vmem>>) offsets(%arg6 : memref<1xi32, #tpu.memory_space<vmem>>) semaphore(%arg14 : memref<!tpu.dma_semaphore, #tpu.memory_space<semaphore_mem>>)
      %dma_start3A_60 = arith.constant 2 : i32
      %dma_start3A_61 = arith.constant 0 : i32
      %dma_start3A_62 = arith.constant 0 : i32
      %dma_start3A_63 = tpu.memref_slice %arg10[%dma_start3A_61, %dma_start3A_62] : memref<1x3200xf32, #tpu.memory_space<vmem>> -> memref<1x768xf32, #tpu.memory_space<vmem>>
      %dma_start3A_64 = arith.constant 0 : i32
      %dma_start3A_65 = arith.constant 0 : i32
      %dma_start3A_66 = tpu.memref_slice %arg3[%dma_start3A_60, %dma_start3A_64, %dma_start3A_65] : memref<3x101x100000xf32, #tpu.memory_space<hbm>> -> memref<1x101x100000xf32, #tpu.memory_space<hbm>>
      %dma_start3A_67 = tpu.memref_squeeze %dma_start3A_66 : memref<1x101x100000xf32, #tpu.memory_space<hbm>> -> memref<101x100000xf32, #tpu.memory_space<hbm>>
      %dma_start3A_68 = arith.constant 0 : i32
      %dma_start3A_69 = tpu.memref_slice %dma_start3A_67[%dma_start3A_68, %mul3A_2] : memref<101x100000xf32, #tpu.memory_space<hbm>> -> memref<101x768xf32, #tpu.memory_space<hbm>>
      tpu.enqueue_indirect_dma source(%dma_start3A_69 : memref<101x768xf32, #tpu.memory_space<hbm>>) target(%dma_start3A_63 : memref<1x768xf32, #tpu.memory_space<vmem>>) offsets(%arg6 : memref<1xi32, #tpu.memory_space<vmem>>) semaphore(%arg15 : memref<!tpu.dma_semaphore, #tpu.memory_space<semaphore_mem>>)
      %dma_wait3A = arith.constant 0 : i32
      %dma_wait3A_70 = arith.constant 0 : i32
      %dma_wait3A_71 = tpu.memref_slice %arg7[%dma_wait3A, %dma_wait3A_70] : memref<1x9600xf32, #tpu.memory_space<vmem>> -> memref<1x2304xf32, #tpu.memory_space<vmem>>
      %dma_wait3A_72 = arith.constant 0 : i32
      %dma_wait3A_73 = tpu.memref_slice %arg4[%dma_wait3A_72, %mul3A_35] : memref<101x300000xf32, #tpu.memory_space<hbm>> -> memref<101x2304xf32, #tpu.memory_space<hbm>>
      tpu.wait_indirect_dma semaphore(%arg12 : memref<!tpu.dma_semaphore, #tpu.memory_space<semaphore_mem>>) src(%dma_wait3A_73 : memref<101x2304xf32, #tpu.memory_space<hbm>>) dst(%dma_wait3A_71 : memref<1x2304xf32, #tpu.memory_space<vmem>>)
      %dma_wait3A_74 = arith.constant 0 : i32
      %dma_wait3A_75 = arith.constant 0 : i32
      %dma_wait3A_76 = arith.constant 0 : i32
      %dma_wait3A_77 = tpu.memref_slice %arg8[%dma_wait3A_75, %dma_wait3A_76] : memref<1x3200xf32, #tpu.memory_space<vmem>> -> memref<1x768xf32, #tpu.memory_space<vmem>>
      %dma_wait3A_78 = arith.constant 0 : i32
      %dma_wait3A_79 = arith.constant 0 : i32
      %dma_wait3A_80 = tpu.memref_slice %arg3[%dma_wait3A_74, %dma_wait3A_78, %dma_wait3A_79] : memref<3x101x100000xf32, #tpu.memory_space<hbm>> -> memref<1x101x100000xf32, #tpu.memory_space<hbm>>
      %dma_wait3A_81 = tpu.memref_squeeze %dma_wait3A_80 : memref<1x101x100000xf32, #tpu.memory_space<hbm>> -> memref<101x100000xf32, #tpu.memory_space<hbm>>
      %dma_wait3A_82 = arith.constant 0 : i32
      %dma_wait3A_83 = tpu.memref_slice %dma_wait3A_81[%dma_wait3A_82, %mul3A_2] : memref<101x100000xf32, #tpu.memory_space<hbm>> -> memref<101x768xf32, #tpu.memory_space<hbm>>
      tpu.wait_indirect_dma semaphore(%arg13 : memref<!tpu.dma_semaphore, #tpu.memory_space<semaphore_mem>>) src(%dma_wait3A_83 : memref<101x768xf32, #tpu.memory_space<hbm>>) dst(%dma_wait3A_77 : memref<1x768xf32, #tpu.memory_space<vmem>>)
      %dma_wait3A_84 = arith.constant 1 : i32
      %dma_wait3A_85 = arith.constant 0 : i32
      %dma_wait3A_86 = arith.constant 0 : i32
      %dma_wait3A_87 = tpu.memref_slice %arg9[%dma_wait3A_85, %dma_wait3A_86] : memref<1x3200xf32, #tpu.memory_space<vmem>> -> memref<1x768xf32, #tpu.memory_space<vmem>>
      %dma_wait3A_88 = arith.constant 0 : i32
      %dma_wait3A_89 = arith.constant 0 : i32
      %dma_wait3A_90 = tpu.memref_slice %arg3[%dma_wait3A_84, %dma_wait3A_88, %dma_wait3A_89] : memref<3x101x100000xf32, #tpu.memory_space<hbm>> -> memref<1x101x100000xf32, #tpu.memory_space<hbm>>
      %dma_wait3A_91 = tpu.memref_squeeze %dma_wait3A_90 : memref<1x101x100000xf32, #tpu.memory_space<hbm>> -> memref<101x100000xf32, #tpu.memory_space<hbm>>
      %dma_wait3A_92 = arith.constant 0 : i32
      %dma_wait3A_93 = tpu.memref_slice %dma_wait3A_91[%dma_wait3A_92, %mul3A_2] : memref<101x100000xf32, #tpu.memory_space<hbm>> -> memref<101x768xf32, #tpu.memory_space<hbm>>
      tpu.wait_indirect_dma semaphore(%arg14 : memref<!tpu.dma_semaphore, #tpu.memory_space<semaphore_mem>>) src(%dma_wait3A_93 : memref<101x768xf32, #tpu.memory_space<hbm>>) dst(%dma_wait3A_87 : memref<1x768xf32, #tpu.memory_space<vmem>>)
      %dma_wait3A_94 = arith.constant 2 : i32
      %dma_wait3A_95 = arith.constant 0 : i32
      %dma_wait3A_96 = arith.constant 0 : i32
      %dma_wait3A_97 = tpu.memref_slice %arg10[%dma_wait3A_95, %dma_wait3A_96] : memref<1x3200xf32, #tpu.memory_space<vmem>> -> memref<1x768xf32, #tpu.memory_space<vmem>>
      %dma_wait3A_98 = arith.constant 0 : i32
      %dma_wait3A_99 = arith.constant 0 : i32
      %dma_wait3A_100 = tpu.memref_slice %arg3[%dma_wait3A_94, %dma_wait3A_98, %dma_wait3A_99] : memref<3x101x100000xf32, #tpu.memory_space<hbm>> -> memref<1x101x100000xf32, #tpu.memory_space<hbm>>
      %dma_wait3A_101 = tpu.memref_squeeze %dma_wait3A_100 : memref<1x101x100000xf32, #tpu.memory_space<hbm>> -> memref<101x100000xf32, #tpu.memory_space<hbm>>
      %dma_wait3A_102 = arith.constant 0 : i32
      %dma_wait3A_103 = tpu.memref_slice %dma_wait3A_101[%dma_wait3A_102, %mul3A_2] : memref<101x100000xf32, #tpu.memory_space<hbm>> -> memref<101x768xf32, #tpu.memory_space<hbm>>
      tpu.wait_indirect_dma semaphore(%arg15 : memref<!tpu.dma_semaphore, #tpu.memory_space<semaphore_mem>>) src(%dma_wait3A_103 : memref<101x768xf32, #tpu.memory_space<hbm>>) dst(%dma_wait3A_97 : memref<1x768xf32, #tpu.memory_space<vmem>>)
    } else {
    }
    %iota3A = tpu.iota {dimensions = array<i32: 0>} : vector<16xi32>
    %mul3A_9 = arith.constant 0 : i32
    %mul3A_10 = vector.broadcast %mul3A_9 : i32 to vector<16xi32>
    %mul3A_11 = arith.muli %iota3A, %mul3A_10 : vector<16xi32>
    %eq3A_12 = arith.constant 31 : i32
    %eq3A_13 = arith.cmpi eq, %add3A, %eq3A_12 : i32
    %jit3A = arith.constant 48 : i32
    %jit3A_14 = arith.constant 200 : i32
    %select_n3A = arith.select %eq3A_13, %jit3A, %jit3A_14 : i32
    %while3A = arith.constant 0 : i32
    %while3A_15 = arith.constant 0 : i32
    %while3A_16 = arith.subi %select_n3A, %while3A_15 : i32
    %while3A_17 = arith.addi %while3A_15, %while3A_16 : i32
    %while3A_18 = arith.constant 1 : i32
    %while3A_19 = arith.divsi %while3A_16, %while3A_18 : i32
    %while3A_20 = arith.muli %while3A_19, %while3A_18 : i32
    %while3A_21 = arith.addi %while3A_15, %while3A_20 : i32
    %while3A_22 = arith.constant 1 : i32
    scf.for %while3A_34 = %while3A_15 to %while3A_21 step %while3A_22  : i32 {
      %mul3A_35 = arith.constant 16 : i32
      %mul3A_36 = arith.muli %while3A_34, %mul3A_35 : i32
      %mul3A_37 = arith.constant 3 : i32
      %mul3A_38 = vector.broadcast %mul3A_37 : i32 to vector<16xi32>
      %mul3A_39 = arith.muli %iota3A, %mul3A_38 : vector<16xi32>
      %mul3A_40 = arith.constant 3 : i32
      %mul3A_41 = arith.muli %mul3A_36, %mul3A_40 : i32
      %add3A_42 = arith.constant 0 : i32
      %add3A_43 = arith.addi %mul3A_41, %add3A_42 : i32
      %add3A_44 = vector.broadcast %add3A_43 : i32 to vector<16xi32>
      %add3A_45 = arith.addi %mul3A_39, %add3A_44 : vector<16xi32>
      %gather3A = tpu.vector_load_idx %arg7[%mul3A_11, %add3A_45] : memref<1x9600xf32, #tpu.memory_space<vmem>>[vector<16xi32>, vector<16xi32>], vector<16xf32>,
      %get3A = arith.constant 0 : i32
      %get3A_46 = arith.index_cast %get3A : i32 to index
      %get3A_47 = arith.index_cast %mul3A_36 : i32 to index
      %get3A_48 = tpu.vector_load %arg8[%get3A_46, %get3A_47] {strides = array<i32>} : memref<1x3200xf32, #tpu.memory_space<vmem>>, vector<16xf32>,
      %add3A_49 = arith.addf %gather3A, %get3A_48 : vector<16xf32>
      %swap3A = arith.constant 0 : i32
      %swap3A_50 = arith.index_cast %swap3A : i32 to index
      %swap3A_51 = arith.index_cast %mul3A_36 : i32 to index
      %swap3A_52 = tpu.vector_load %arg11[%swap3A_50, %swap3A_51] {strides = array<i32>} : memref<3x3200xf32, #tpu.memory_space<vmem>>, vector<16xf32>,
      tpu.vector_store %arg11[%swap3A_50, %swap3A_51], %add3A_49 {strides = array<i32>} : memref<3x3200xf32, #tpu.memory_space<vmem>>, vector<16xf32>,
      %mul3A_53 = arith.constant 3 : i32
      %mul3A_54 = vector.broadcast %mul3A_53 : i32 to vector<16xi32>
      %mul3A_55 = arith.muli %iota3A, %mul3A_54 : vector<16xi32>
      %mul3A_56 = arith.constant 3 : i32
      %mul3A_57 = arith.muli %mul3A_36, %mul3A_56 : i32
      %add3A_58 = arith.constant 1 : i32
      %add3A_59 = arith.addi %mul3A_57, %add3A_58 : i32
      %add3A_60 = vector.broadcast %add3A_59 : i32 to vector<16xi32>
      %add3A_61 = arith.addi %mul3A_55, %add3A_60 : vector<16xi32>
      %gather3A_62 = tpu.vector_load_idx %arg7[%mul3A_11, %add3A_61] : memref<1x9600xf32, #tpu.memory_space<vmem>>[vector<16xi32>, vector<16xi32>], vector<16xf32>,
      %get3A_63 = arith.constant 0 : i32
      %get3A_64 = arith.index_cast %get3A_63 : i32 to index
      %get3A_65 = arith.index_cast %mul3A_36 : i32 to index
      %get3A_66 = tpu.vector_load %arg9[%get3A_64, %get3A_65] {strides = array<i32>} : memref<1x3200xf32, #tpu.memory_space<vmem>>, vector<16xf32>,
      %add3A_67 = arith.addf %gather3A_62, %get3A_66 : vector<16xf32>
      %swap3A_68 = arith.constant 1 : i32
      %swap3A_69 = arith.index_cast %swap3A_68 : i32 to index
      %swap3A_70 = arith.index_cast %mul3A_36 : i32 to index
      %swap3A_71 = tpu.vector_load %arg11[%swap3A_69, %swap3A_70] {strides = array<i32>} : memref<3x3200xf32, #tpu.memory_space<vmem>>, vector<16xf32>,
      tpu.vector_store %arg11[%swap3A_69, %swap3A_70], %add3A_67 {strides = array<i32>} : memref<3x3200xf32, #tpu.memory_space<vmem>>, vector<16xf32>,
      %mul3A_72 = arith.constant 3 : i32
      %mul3A_73 = vector.broadcast %mul3A_72 : i32 to vector<16xi32>
      %mul3A_74 = arith.muli %iota3A, %mul3A_73 : vector<16xi32>
      %mul3A_75 = arith.constant 3 : i32
      %mul3A_76 = arith.muli %mul3A_36, %mul3A_75 : i32
      %add3A_77 = arith.constant 2 : i32
      %add3A_78 = arith.addi %mul3A_76, %add3A_77 : i32
      %add3A_79 = vector.broadcast %add3A_78 : i32 to vector<16xi32>
      %add3A_80 = arith.addi %mul3A_74, %add3A_79 : vector<16xi32>
      %gather3A_81 = tpu.vector_load_idx %arg7[%mul3A_11, %add3A_80] : memref<1x9600xf32, #tpu.memory_space<vmem>>[vector<16xi32>, vector<16xi32>], vector<16xf32>,
      %get3A_82 = arith.constant 0 : i32
      %get3A_83 = arith.index_cast %get3A_82 : i32 to index
      %get3A_84 = arith.index_cast %mul3A_36 : i32 to index
      %get3A_85 = tpu.vector_load %arg10[%get3A_83, %get3A_84] {strides = array<i32>} : memref<1x3200xf32, #tpu.memory_space<vmem>>, vector<16xf32>,
      %add3A_86 = arith.addf %gather3A_81, %get3A_85 : vector<16xf32>
      %swap3A_87 = arith.constant 2 : i32
      %swap3A_88 = arith.index_cast %swap3A_87 : i32 to index
      %swap3A_89 = arith.index_cast %mul3A_36 : i32 to index
      %swap3A_90 = tpu.vector_load %arg11[%swap3A_88, %swap3A_89] {strides = array<i32>} : memref<3x3200xf32, #tpu.memory_space<vmem>>, vector<16xf32>,
      tpu.vector_store %arg11[%swap3A_88, %swap3A_89], %add3A_86 {strides = array<i32>} : memref<3x3200xf32, #tpu.memory_space<vmem>>, vector<16xf32>,
    }
    %while3A_23 = arith.constant 1 : i32
    scf.for %while3A_34 = %while3A_21 to %while3A_17 step %while3A_23  : i32 {
      %mul3A_35 = arith.constant 16 : i32
      %mul3A_36 = arith.muli %while3A_34, %mul3A_35 : i32
      %mul3A_37 = arith.constant 3 : i32
      %mul3A_38 = vector.broadcast %mul3A_37 : i32 to vector<16xi32>
      %mul3A_39 = arith.muli %iota3A, %mul3A_38 : vector<16xi32>
      %mul3A_40 = arith.constant 3 : i32
      %mul3A_41 = arith.muli %mul3A_36, %mul3A_40 : i32
      %add3A_42 = arith.constant 0 : i32
      %add3A_43 = arith.addi %mul3A_41, %add3A_42 : i32
      %add3A_44 = vector.broadcast %add3A_43 : i32 to vector<16xi32>
      %add3A_45 = arith.addi %mul3A_39, %add3A_44 : vector<16xi32>
      %gather3A = tpu.vector_load_idx %arg7[%mul3A_11, %add3A_45] : memref<1x9600xf32, #tpu.memory_space<vmem>>[vector<16xi32>, vector<16xi32>], vector<16xf32>,
      %get3A = arith.constant 0 : i32
      %get3A_46 = arith.index_cast %get3A : i32 to index
      %get3A_47 = arith.index_cast %mul3A_36 : i32 to index
      %get3A_48 = tpu.vector_load %arg8[%get3A_46, %get3A_47] {strides = array<i32>} : memref<1x3200xf32, #tpu.memory_space<vmem>>, vector<16xf32>,
      %add3A_49 = arith.addf %gather3A, %get3A_48 : vector<16xf32>
      %swap3A = arith.constant 0 : i32
      %swap3A_50 = arith.index_cast %swap3A : i32 to index
      %swap3A_51 = arith.index_cast %mul3A_36 : i32 to index
      %swap3A_52 = tpu.vector_load %arg11[%swap3A_50, %swap3A_51] {strides = array<i32>} : memref<3x3200xf32, #tpu.memory_space<vmem>>, vector<16xf32>,
      tpu.vector_store %arg11[%swap3A_50, %swap3A_51], %add3A_49 {strides = array<i32>} : memref<3x3200xf32, #tpu.memory_space<vmem>>, vector<16xf32>,
      %mul3A_53 = arith.constant 3 : i32
      %mul3A_54 = vector.broadcast %mul3A_53 : i32 to vector<16xi32>
      %mul3A_55 = arith.muli %iota3A, %mul3A_54 : vector<16xi32>
      %mul3A_56 = arith.constant 3 : i32
      %mul3A_57 = arith.muli %mul3A_36, %mul3A_56 : i32
      %add3A_58 = arith.constant 1 : i32
      %add3A_59 = arith.addi %mul3A_57, %add3A_58 : i32
      %add3A_60 = vector.broadcast %add3A_59 : i32 to vector<16xi32>
      %add3A_61 = arith.addi %mul3A_55, %add3A_60 : vector<16xi32>
      %gather3A_62 = tpu.vector_load_idx %arg7[%mul3A_11, %add3A_61] : memref<1x9600xf32, #tpu.memory_space<vmem>>[vector<16xi32>, vector<16xi32>], vector<16xf32>,
      %get3A_63 = arith.constant 0 : i32
      %get3A_64 = arith.index_cast %get3A_63 : i32 to index
      %get3A_65 = arith.index_cast %mul3A_36 : i32 to index
      %get3A_66 = tpu.vector_load %arg9[%get3A_64, %get3A_65] {strides = array<i32>} : memref<1x3200xf32, #tpu.memory_space<vmem>>, vector<16xf32>,
      %add3A_67 = arith.addf %gather3A_62, %get3A_66 : vector<16xf32>
      %swap3A_68 = arith.constant 1 : i32
      %swap3A_69 = arith.index_cast %swap3A_68 : i32 to index
      %swap3A_70 = arith.index_cast %mul3A_36 : i32 to index
      %swap3A_71 = tpu.vector_load %arg11[%swap3A_69, %swap3A_70] {strides = array<i32>} : memref<3x3200xf32, #tpu.memory_space<vmem>>, vector<16xf32>,
      tpu.vector_store %arg11[%swap3A_69, %swap3A_70], %add3A_67 {strides = array<i32>} : memref<3x3200xf32, #tpu.memory_space<vmem>>, vector<16xf32>,
      %mul3A_72 = arith.constant 3 : i32
      %mul3A_73 = vector.broadcast %mul3A_72 : i32 to vector<16xi32>
      %mul3A_74 = arith.muli %iota3A, %mul3A_73 : vector<16xi32>
      %mul3A_75 = arith.constant 3 : i32
      %mul3A_76 = arith.muli %mul3A_36, %mul3A_75 : i32
      %add3A_77 = arith.constant 2 : i32
      %add3A_78 = arith.addi %mul3A_76, %add3A_77 : i32
      %add3A_79 = vector.broadcast %add3A_78 : i32 to vector<16xi32>
      %add3A_80 = arith.addi %mul3A_74, %add3A_79 : vector<16xi32>
      %gather3A_81 = tpu.vector_load_idx %arg7[%mul3A_11, %add3A_80] : memref<1x9600xf32, #tpu.memory_space<vmem>>[vector<16xi32>, vector<16xi32>], vector<16xf32>,
      %get3A_82 = arith.constant 0 : i32
      %get3A_83 = arith.index_cast %get3A_82 : i32 to index
      %get3A_84 = arith.index_cast %mul3A_36 : i32 to index
      %get3A_85 = tpu.vector_load %arg10[%get3A_83, %get3A_84] {strides = array<i32>} : memref<1x3200xf32, #tpu.memory_space<vmem>>, vector<16xf32>,
      %add3A_86 = arith.addf %gather3A_81, %get3A_85 : vector<16xf32>
      %swap3A_87 = arith.constant 2 : i32
      %swap3A_88 = arith.index_cast %swap3A_87 : i32 to index
      %swap3A_89 = arith.index_cast %mul3A_36 : i32 to index
      %swap3A_90 = tpu.vector_load %arg11[%swap3A_88, %swap3A_89] {strides = array<i32>} : memref<3x3200xf32, #tpu.memory_space<vmem>>, vector<16xf32>,
      tpu.vector_store %arg11[%swap3A_88, %swap3A_89], %add3A_86 {strides = array<i32>} : memref<3x3200xf32, #tpu.memory_space<vmem>>, vector<16xf32>,
    }
    %lt3A_24 = arith.constant 31 : i32
    %lt3A_25 = arith.cmpi slt, %add3A, %lt3A_24 : i32
    %convert_element_type3A_26 = arith.extui %lt3A_25 : i1 to i32
    %cond3A_27 = arith.constant 0 : i32
    %cond3A_28 = arith.cmpi ne, %convert_element_type3A_26, %cond3A_27 : i32
    scf.if %cond3A_28 {
      "tpu.region"() ({
        %run_scoped3A = tpu.sem_alloc : memref<!tpu.dma_semaphore, #tpu.memory_space<semaphore_mem>>
        %dma_start3A = arith.constant 0 : i32
        %dma_start3A_34 = tpu.memref_slice %arg5[%dma_start3A, %mul3A_2] : memref<3x100000xf32, #tpu.memory_space<hbm>> -> memref<3x3200xf32, #tpu.memory_space<hbm>>
        %dma_start3A_35 = arith.constant 0 : i32
        %dma_start3A_36 = tpu.memref_slice %arg5[%dma_start3A_35, %mul3A_2] : memref<3x100000xf32, #tpu.memory_space<hbm>> -> memref<3x3200xf32, #tpu.memory_space<hbm>>
        tpu.enqueue_dma source(%arg11 : memref<3x3200xf32, #tpu.memory_space<vmem>>) target(%dma_start3A_36 : memref<3x3200xf32, #tpu.memory_space<hbm>>) target_semaphore(%run_scoped3A : memref<!tpu.dma_semaphore, #tpu.memory_space<semaphore_mem>>)
        %dma_wait3A = arith.constant 0 : i32
        %dma_wait3A_37 = tpu.memref_slice %arg5[%dma_wait3A, %mul3A_2] : memref<3x100000xf32, #tpu.memory_space<hbm>> -> memref<3x3200xf32, #tpu.memory_space<hbm>>
        %dma_wait3A_38 = arith.constant 0 : i32
        %dma_wait3A_39 = tpu.memref_slice %arg5[%dma_wait3A_38, %mul3A_2] : memref<3x100000xf32, #tpu.memory_space<hbm>> -> memref<3x3200xf32, #tpu.memory_space<hbm>>
        tpu.wait_dma2 semaphore(%run_scoped3A : memref<!tpu.dma_semaphore, #tpu.memory_space<semaphore_mem>>) src(%arg11 : memref<3x3200xf32, #tpu.memory_space<vmem>>) dst(%dma_wait3A_39 : memref<3x3200xf32, #tpu.memory_space<hbm>>)
        tpu.yield
      }) : () -> ()
    } else {
    }
    %eq3A_29 = arith.constant 31 : i32
    %eq3A_30 = arith.cmpi eq, %add3A, %eq3A_29 : i32
    %convert_element_type3A_31 = arith.extui %eq3A_30 : i1 to i32
    %cond3A_32 = arith.constant 0 : i32
    %cond3A_33 = arith.cmpi ne, %convert_element_type3A_31, %cond3A_32 : i32
    scf.if %cond3A_33 {
      "tpu.region"() ({
        %run_scoped3A = tpu.sem_alloc : memref<!tpu.dma_semaphore, #tpu.memory_space<semaphore_mem>>
        %dma_start3A = arith.constant 0 : i32
        %dma_start3A_34 = arith.constant 0 : i32
        %dma_start3A_35 = tpu.memref_slice %arg11[%dma_start3A, %dma_start3A_34] : memref<3x3200xf32, #tpu.memory_space<vmem>> -> memref<3x768xf32, #tpu.memory_space<vmem>>
        %dma_start3A_36 = arith.constant 0 : i32
        %dma_start3A_37 = tpu.memref_slice %arg5[%dma_start3A_36, %mul3A_2] : memref<3x100000xf32, #tpu.memory_space<hbm>> -> memref<3x768xf32, #tpu.memory_space<hbm>>
        %dma_start3A_38 = arith.constant 0 : i32
        %dma_start3A_39 = tpu.memref_slice %arg5[%dma_start3A_38, %mul3A_2] : memref<3x100000xf32, #tpu.memory_space<hbm>> -> memref<3x768xf32, #tpu.memory_space<hbm>>
        %dma_start3A_40 = arith.constant 0 : i32
        %dma_start3A_41 = arith.constant 0 : i32
        %dma_start3A_42 = tpu.memref_slice %arg11[%dma_start3A_40, %dma_start3A_41] : memref<3x3200xf32, #tpu.memory_space<vmem>> -> memref<3x768xf32, #tpu.memory_space<vmem>>
        tpu.enqueue_dma source(%dma_start3A_42 : memref<3x768xf32, #tpu.memory_space<vmem>>) target(%dma_start3A_39 : memref<3x768xf32, #tpu.memory_space<hbm>>) target_semaphore(%run_scoped3A : memref<!tpu.dma_semaphore, #tpu.memory_space<semaphore_mem>>)
        %dma_wait3A = arith.constant 0 : i32
        %dma_wait3A_43 = arith.constant 0 : i32
        %dma_wait3A_44 = tpu.memref_slice %arg11[%dma_wait3A, %dma_wait3A_43] : memref<3x3200xf32, #tpu.memory_space<vmem>> -> memref<3x768xf32, #tpu.memory_space<vmem>>
        %dma_wait3A_45 = arith.constant 0 : i32
        %dma_wait3A_46 = tpu.memref_slice %arg5[%dma_wait3A_45, %mul3A_2] : memref<3x100000xf32, #tpu.memory_space<hbm>> -> memref<3x768xf32, #tpu.memory_space<hbm>>
        %dma_wait3A_47 = arith.constant 0 : i32
        %dma_wait3A_48 = tpu.memref_slice %arg5[%dma_wait3A_47, %mul3A_2] : memref<3x100000xf32, #tpu.memory_space<hbm>> -> memref<3x768xf32, #tpu.memory_space<hbm>>
        %dma_wait3A_49 = arith.constant 0 : i32
        %dma_wait3A_50 = arith.constant 0 : i32
        %dma_wait3A_51 = tpu.memref_slice %arg11[%dma_wait3A_49, %dma_wait3A_50] : memref<3x3200xf32, #tpu.memory_space<vmem>> -> memref<3x768xf32, #tpu.memory_space<vmem>>
        tpu.wait_dma2 semaphore(%run_scoped3A : memref<!tpu.dma_semaphore, #tpu.memory_space<semaphore_mem>>) src(%dma_wait3A_51 : memref<3x768xf32, #tpu.memory_space<vmem>>) dst(%dma_wait3A_48 : memref<3x768xf32, #tpu.memory_space<hbm>>)
        tpu.yield
      }) : () -> ()
    } else {
    }
    return
  }
}

</mosaic_0001>

<sc_bundles>
// kernel: _run.3.cloned.1.call-start
scs
__scs_entry_jumppad:
0x0: {  	(pc) =	sbr.rel $0x88, $3  }
0x1: {  	(tag) =	ssettag $0x0;
	lr =	simm.s32 $0x1  }
0x2: {  	[smem:$0x3F9E] =	sst lr;
	_ =	strace $0xD0000000  }
0x3: {  	_ = 	snop  }
0x4: {  	_ = 	snop  }
0x5: {  	_ = 	snop  }
0x6: {  	_ = 	snop  }
0x7: {  	_ = 	snop  }
__scs_overlays_trampoline_lowered:
0x8: {  	[smem:$0x3FAD] =	sst s0  }
0x9: {  	[smem:$0x3FAE] =	sst s1  }
0xa: {  	[smem:$0x3FAF] =	sst s2  }
0xb: {  	[smem:$0x3FB0] =	sst s3  }
0xc: {  	[smem:$0x3FB1] =	sst s4  }
0xd: {  	[smem:$0x3FB2] =	sst s5  }
0xe: {  	[smem:$0x3FB3] =	sst s6  }
0xf: {  	[smem:$0x3FB4] =	sst s7  }
0x10: {  	[smem:$0x3FB5] =	sst s8  }
0x11: {  	[smem:$0x3FB6] =	sst s9;
	s0 =	simm.s32 @!p0 $0x0  }
0x12: {  	s1 =	sld [smem:$0x3F9C];
	s0 =	simm.s32 @p0 $0x1  }
0x13: {  	[smem:$0x3FB7] =	sst s0;
	s0 =	simm.s32 @!p1 $0x0  }
0x14: {  	s2 =	sld [smem:$0x3F9B];
	s0 =	simm.s32 @p1 $0x1  }
0x15: {  	[smem:$0x3FB8] =	sst s0;
	s0 =	simm.s32 @!p2 $0x0  }
0x16: {  	s3 =	sld [smem:$0x3FDB];
	s0 =	simm.s32 @p2 $0x1  }
0x17: {  	s4 =	simm.s32 $0x1BF5;
	[smem:$0x3FBA] =	sst s0  }
0x18: {  	s0 =	sld [smem:$0x3F9D];
	_ =	swait.ge [sflag:s4], $0x0  }
0x19: {  	s7 =	sld [smem:$0x3F9E]  }
0x1a: {  	s8 =	sadd.s32 $0xFFFFE003, lr  }
0x1b: {  	s9 =	sadd.s32 $0xFFFFFEF7, lr;
	s5 =	simm.s32 $0xFFFFFFFF;
	p2 =	slt.u32 s8, $0xFFFFF086  }
0x1c: {  	p1 =	slt.u32 s9, $0xF7A;
	s5 =	simm.s32 @!p2 $0x0  }
0x1d: {  	s5 =	simm.s32 @p1 $0x1;
	p0 =	seq.s32 s7, s2  }
0x1e: {  	s7 =	smul.u32 @!p0 $0xF7A, s2;
	p2 =	seq.s32 @!p0 s5, $0x0  }
0x1f: {  	s9 =	smul.u32 $0xF7A, s1;
	s8 =	simm.s32 @!p0 $0x1BF5;
	p2 =	por !p2, p0  }
0x20: {  	[sflag:s8] =	ssyncset.s32 @!p0 $0xFFFFF086;
	s6 =	sadd.s32 @!p0 s3, s7;
	s7 =	simm.s32 @!p0 $0x108  }
0x21: {  	s3 =	sadd.s32 s3, s9;
	s6 =	sadd.s32 @!p0 $0x88, s6;
	s7 =	simm.s32 @p2 $0x1082  }
0x22: {  	[simem:s7], [sflag:s8] =	dma.local @!p0 [hbm:s6], $0xF7A  }
0x23: {  	s9 =	sor.u32 $0xD0000000, s2;
	s6 =	simm.s32 $0x108;
	_ =	swait.ge @!p0 [sflag:s8], $0x0  }
0x24: {  	s3 =	sadd.s32 $0x88, s3;
	s6 =	simm.s32 @!p1 $0x1082;
	[sflag:s4] =	ssyncset.s32 $0xFFFFF086  }
0x25: {  	[simem:s6], [sflag:s4] =	dma.local [hbm:s3], $0xF7A  }
0x26: {  	[smem:$0x3F9E] =	sst s1;
	(tag) =	ssettag s2;
	_ =	strace s9  }
0x27: {  	s1 =	sld [smem:$0x3FAE]  }
0x28: {  	s2 =	sld [smem:$0x3FAF]  }
0x29: {  	s4 =	sld [smem:$0x3FB1]  }
0x2a: {  	p0 =	seq.s32 s5, $0x0;
	s5 =	sld [smem:$0x3FB2]  }
0x2b: {  	s6 =	sld [smem:$0x3FB3]  }
0x2c: {  	s7 =	sld [smem:$0x3FB4]  }
0x2d: {  	s3 =	simm.s32 $0x108;
	s8 =	sld [smem:$0x3FB5]  }
0x2e: {  	s3 =	simm.s32 @!p0 $0x1082;
	s9 =	sld [smem:$0x3FB6]  }
0x2f: {  	lr =	sadd.s32 s0, s3;
	s0 =	sld [smem:$0x3FAD]  }
0x30: {  	s3 =	sld [smem:$0x3FB0]  }
0x31: {  	[smem:$0x3FB9] =	sst s10  }
0x32: {  	s10 =	sld [smem:$0x3FB7];
	_ =	sdelay $0x3  }
0x33: {  	p0 =	seq.s32 s10, $0x1;
	s10 =	sld [smem:$0x3FB9];
	_ =	sdelay $0x3  }
0x34: {  	[smem:$0x3FB9] =	sst s10  }
0x35: {  	s10 =	sld [smem:$0x3FB8];
	_ =	sdelay $0x3  }
0x36: {  	p1 =	seq.s32 s10, $0x1;
	s10 =	sld [smem:$0x3FB9];
	_ =	sdelay $0x3  }
0x37: {  	[smem:$0x3FB9] =	sst s10  }
0x38: {  	s10 =	sld [smem:$0x3FBA]  }
0x39: {  	_ = 	snop;
	(pc) =	sbr.ind lr, $3  }
0x3a: {  	_ = 	snop  }
0x3b: {  	_ = 	snop  }
0x3c: {  	p2 =	seq.s32 s10, $0x1;
	s10 =	sld [smem:$0x3FB9]  }
0x3d: {  	_ =	shalt  }
0x3e: {  	_ =	shalt  }
0x3f: {  	_ =	shalt  }
0x40: {  	_ =	shalt  }
0x41: {  	_ =	shalt  }
0x42: {  	_ =	shalt  }
0x43: {  	_ =	shalt  }
0x44: {  	_ =	shalt  }
0x45: {  	_ =	shalt  }
0x46: {  	_ =	shalt  }
0x47: {  	_ =	shalt  }
0x48: {  	_ =	shalt  }
0x49: {  	_ =	shalt  }
0x4a: {  	_ =	shalt  }
0x4b: {  	_ =	shalt  }
0x4c: {  	_ =	shalt  }
0x4d: {  	_ =	shalt  }
0x4e: {  	_ =	shalt  }
0x4f: {  	_ =	shalt  }
0x50: {  	_ =	shalt  }
0x51: {  	_ =	shalt  }
0x52: {  	_ =	shalt  }
0x53: {  	_ =	shalt  }
0x54: {  	_ =	shalt  }
0x55: {  	_ =	shalt  }
0x56: {  	_ =	shalt  }
0x57: {  	_ =	shalt  }
0x58: {  	_ =	shalt  }
0x59: {  	_ =	shalt  }
0x5a: {  	_ =	shalt  }
0x5b: {  	_ =	shalt  }
0x5c: {  	_ =	shalt  }
0x5d: {  	_ =	shalt  }
0x5e: {  	_ =	shalt  }
0x5f: {  	_ =	shalt  }
0x60: {  	_ =	shalt  }
0x61: {  	_ =	shalt  }
0x62: {  	_ =	shalt  }
0x63: {  	_ =	shalt  }
0x64: {  	_ =	shalt  }
0x65: {  	_ =	shalt  }
0x66: {  	_ =	shalt  }
0x67: {  	_ =	shalt  }
0x68: {  	_ =	shalt  }
0x69: {  	_ =	shalt  }
0x6a: {  	_ =	shalt  }
0x6b: {  	_ =	shalt  }
0x6c: {  	_ =	shalt  }
0x6d: {  	_ =	shalt  }
0x6e: {  	_ =	shalt  }
0x6f: {  	_ =	shalt  }
0x70: {  	_ =	shalt  }
0x71: {  	_ =	shalt  }
0x72: {  	_ =	shalt  }
0x73: {  	_ =	shalt  }
0x74: {  	_ =	shalt  }
0x75: {  	_ =	shalt  }
0x76: {  	_ =	shalt  }
0x77: {  	_ =	shalt  }
0x78: {  	_ =	shalt  }
0x79: {  	_ =	shalt  }
0x7a: {  	_ =	shalt  }
0x7b: {  	_ =	shalt  }
0x7c: {  	_ =	shalt  }
0x7d: {  	_ =	shalt  }
0x7e: {  	_ =	shalt  }
0x7f: {  	_ =	shalt  }
0x80: {  	_ =	shalt  }
0x81: {  	_ =	shalt  }
0x82: {  	_ =	shalt  }
0x83: {  	_ =	shalt  }
0x84: {  	_ =	shalt  }
0x85: {  	_ =	shalt  }
0x86: {  	_ =	shalt  }
0x87: {  	_ =	shalt  }
.Lfunc_end0:
.L_simem_size_0:
called_computation_lowered:
.L_overlay_start_0:
0x88: {  	s2 =	sld [smem:$0x3FD9]  }
0x89: {  	s3 =	sld [smem:$0x3FFE];
	_ =	sdelay $0x1  }
0x8a: {  	s1 =	srdreg.scid  }
0x8b: {  	s0 =	sand.u32 $0x1, s1  }
0x8c: {  	s17 =	sshll.u32 s0, $0xA;
	s2 =	sadd.s32 s3, s2  }
0x8d: {  	s2 =	sadd.s32 s2, s17  }
0x8e: {  	[smem:$0x3FC5] =	sst s2  }
0x8f: {  	_ = 	snop  }
0x90: {  	s2 =	sld [smem:$0x3FC8]  }
0x91: {  	s18 =	sld [smem:$0x3FC7]  }
0x92: {  	s4 =	sld [smem:$0x3FD0];
	(tm) =	ssettm $0x1  }
0x93: {  	s5 =	sld [smem:$0x3FFB];
	_ =	sdelay $0x3  }
0x94: {  	_ =	strace s5  }
0x95: {  	s5 =	sld [smem:$0x3FFC];
	_ =	sdelay $0x3  }
0x96: {  	_ =	strace s5  }
0x97: {  	s5 =	sld [smem:$0x3FFD];
	_ =	sdelay $0x3  }
0x98: {  	_ =	strace s5  }
0x99: {  	_ =	strace $0x8FFFFFFF  }
0x9a: {  	s19 =	sld [smem:$0x3FDB];
	_ =	sdelay $0x1  }
0x9b: {  	s6 =	simm.s32 $_scs_section_size  }
0x9c: {  	s7 =	simm.s32 $_size__tile_overlayer_lowered;
	s8 =	simm.s32 $_tile_overlayer_lowered  }
0x9d: {  	s22 =	simm.s32 $0x1BFF;
	s21 =	sshll.u32 s8, $0x1;
	s5 =	sadd.s32 s6, s19  }
0x9e: {  	s9 =	simm.s32 $0x0;
	s20 =	sshll.u32 s7, $0x1;
	s7 =	sadd.s32 s21, s5  }
0x9f: {  	[timem:s9], [sflag:s22] =	dma.local [hbm:s7], s20  }
0xa0: {  	_ =	swait.ge [sflag:s22], s20  }
0xa1: {  	s6 =	ssub.s32 $0x0, s20;
	[sflag:s22] =	ssyncset.done $0x0  }
0xa2: {  	[sflag:s22] =	ssyncadd.s32 s6;
	_ =	sdelay $0x1  }
0xa3: {  	s23 =	simm.s32 $0x1B8B  }
0xa4: {  	_ =	swait.ge [sflag:s23], $0x1  }
0xa5: {  	[sflag:s23] =	ssyncset.done $0x0  }
0xa6: {  	s25 =	simm.s32 $0x1B8E;
	s24 =	sld [smem:$0x3FFE];
	[sflag:s23] =	ssyncadd.s32 $0xFFFFFFFF  }
0xa7: {  	s26 =	simm.s32 $execute0_lowered;
	[smem:$0x3FD2] =	sst s25  }
0xa8: {  	s7 =	sshll.u32 s26, $0x1;
	_ =	strace $0x80000046;
	[dreg:$0x1] =	wrdreg $0xFFFFFFFF  }
0xa9: {  	s28 =	simm.s32 $_size_execute0_lowered;
	s5 =	sadd.s32 s5, s7;
	[dreg:$0x0] =	wrdreg $0x0  }
0xaa: {  	s7 =	sshll.u32 s28, $0x1;
	[dreg:$0x2] =	wrdreg s5  }
0xab: {  	[dreg:$0x3] =	wrdreg s7  }
0xac: {  	[dreg:$0x4] =	wrdreg $0xC0  }
0xad: {  	_ =	task [dreg:s9], $0x5FFFF  }
0xae: {  	[dreg:$0x1] =	wrdreg $0xFFFFFFFF  }
0xaf: {  	[dreg:$0x0] =	wrdreg $0x60  }
0xb0: {  	[dreg:$0x2] =	wrdreg s24  }
0xb1: {  	[dreg:$0x3] =	wrdreg s2  }
0xb2: {  	[dreg:$0x4] =	wrdreg s18  }
0xb3: {  	[dreg:$0x5] =	wrdreg s4  }
0xb4: {  	[dreg:$0x6] =	wrdreg $0x9  }
0xb5: {  	_ =	task.clear_ibuf [dreg:s9], $0x7FFFF;
	_ =	strace $0x90000046  }
0xb6: {  	s29 =	simm.s32 $0x9;
	_ =	strace $0x80000048  }
0xb7: {  	_ =	swait.ge [sflag:s29], $0x1  }
0xb8: {  	[sflag:s29] =	ssyncadd.s32 $0xFFFFFFFF  }
0xb9: {  	_ =	strace $0x90000048  }
0xba: {  	_ =	sfence  }
0xbb: {  	s30 =	sld [smem:$0x0];
	_ =	sdelay $0x2  }
0xbc: {  	s31 =	sshll.u32 s1, $0xD;
	s1 =	sshrl.u32 s1, $0x2  }
0xbd: {  	s3 =	sand.u32 $0x4000, s31;
	s1 =	sadd.s32 s1, s30  }
0xbe: {  	s0 =	sor.u32 s3, s0;
	s1 =	sshll.u32 s1, $0x11  }
0xbf: {  	s0 =	sor.u32 s1, s0  }
0xc0: {  	s0 =	sadd.s32 $0x8F2B, s0  }
0xc1: {  	[sflag:s0] =	ssyncadd.remote.s32 $0x1  }
0xc2: {  	_ =	sfence.sel $0xFFFF  }
0xc3: {  	[dreg:$0x0] =	wrdreg $0xFFFFFFFF;
	(pc) =	sbr.abs _section_cstart, $3  }
0xc4: {  	[dreg:$0x1] =	wrdreg $0xFFFFFFFF  }
0xc5: {  	_ =	task.clear_ibuf [dreg:s9], $0x2FFFF;
	_ =	strace $0x9FFFFFFF  }
0xc6: {  	(tm) =	ssettm $0x7FFFFFFF  }
0xc7: {  	_ =	shalt  }
tec
execute0_lowered:
.L_overlay_start_1:
0x0: {  	(tag) =	ssettag $0x1  }
0x1: {  	s0 =	rddreg [dreg:$0x1]  }
0x2: {  	s2 =	rddreg [dreg:$0x2]  }
0x3: {  	s3 =	srdreg.scid;
	s1 =	stileid.u32  }
0x4: {  	s12 =	rddreg [dreg:$0x3];
	s15 =	simm.s32 $0x80;
	s18 =	simm.s32 $0x2600  }
0x5: {  	s20 =	simm.s32 $0x3280;
	s22 =	simm.s32 $0x3F00;
	s23 =	simm.s32 $0x1  }
0x6: {  	s24 =	simm.s32 $0x2;
	s25 =	simm.s32 $0x3;
	s26 =	simm.s32 $0x4  }
0x7: {  	s28 =	simm.s32 $0x0;
	s4 =	sand.u32 $0x1, s3;
	s31 =	sshll.u32 s1, $0x1  }
0x8: {  	s3 =	simm.s32 $0x0;
	s8 =	sadd.s32 $0x27B600, s0;
	s9 =	sadd.s32 $0x48A80, s2  }
0x9: {  	s10 =	sadd.s32 $0x18380, s0;
	s14 =	sor.u32 s4, s31;
	s5 =	ssub.s32 $0x2, s4  }
0xa: {  	[smem:$0x7FF] =	sst s3;
	s16 =	sadd.s32 $0x800, s9;
	s6 =	smul.u32 $0x2580, s14  }
0xb: {  	s21 =	sadd.s32 $0x18380, s8;
	s7 =	sshrl.u32 s5, $0x1;
	s4 =	smul.u32 $0xC80, s14  }
0xc: {  	_ =	strace $0x80000047;
	s11 =	smul.u32 $0x640, s14;
	p0 =	seq.s32 s14, $0x1F  }
0xd: {  	v2 =	vlaneseq.u32;
	v0 =	vimm.s32 $0x0;
	vm0 =	vmmov $0xffff;
	s14 =	simm.s32 $0x5;
	s13 =	ssub.s32 s5, s7;
	s7 =	sadd.s32 $0x13DB00, s0  }
0xe: {  	vm1 =	vmmov $0x3;
	vm2 =	vmmov $0x3f;
	vm3 =	vmmov $0x7ff;
	s5 =	sadd.s32 s2, s6;
	s6 =	sadd.s32 s0, s4;
	s11 =	sadd.s32 s12, s11  }
0xf: {  	vm4 =	vmmov $0x1ff;
	v1 =	vmul.u32 $0x8, v2;
	v2 =	vmul.u32 $0x3, v2;
	s12 =	sadd.s32 $0xC1C0, s12;
	s13 =	smax.u32 s13, $0x1;
	s19 =	sadd.s32 $0x18380, s7  }
.LBB2_1:
.Ltmp0:
0x10: {  	s0 =	rddreg [dreg:$0x0];
	(pc) =	sbr.rel @!p0 .LBB2_2-.Ltmp0, $4  }
0x11: {  	[tilespmem:s3], [sflag:$0x5] =	stream.linear.gather [hbm4b:s0+s3], $0x80, $0x38;
	[tilespmem:$0x7D80] =	vst v63  }
0x12: {  	_ =	swait.ge [sflag:s14], $0x80  }
0x13: {  	[sflag:s14] =	ssyncset.done $0x0  }
0x14: {  	[sflag:s14] =	ssyncadd.s32 $0xFFFFFF80  }
0x15: {  	v3 =	vld.msk [tilespmem:$0x0], $0x1;
	_ =	sdelay $0x4  }
0x16: {  	v4 =	vshrl.u32 v3, $0x3  }
0x17: {  	v4 =	vmul.u32 $0x4940, v4  }
0x18: {  	v3 =	vand.u32 $0x7, v3  }
0x19: {  	v3 =	vor.u32 v3, v4  }
0x1a: {  	v3 =	vperm.xlane v3, v0;
	_ =	sdelay $0x1  }
0x1b: {  	v3 =	vadd.s32 v1, v3;
	_ =	sdelay $0x4  }
0x1c: {  	[tilespmem:s15], [sflag:$0x1] =	stream.indirect_vreg.gather [hbm4b:s9+s3], $0x80, v3, vm0, $0xb8;
	[tilespmem:$0x7D80] =	vst v63  }
0x1d: {  	s0 =	simm.s32 $0x880  }
0x1e: {  	[tilespmem:s0], [sflag:$0x1] =	stream.indirect_vreg.gather [hbm4b:s16+s3], $0x80, v3, vm1, $0xb8;
	[tilespmem:$0x7D80] =	vst v63  }
0x1f: {  	v3 =	vld.msk [tilespmem:$0x0], $0x1;
	_ =	sdelay $0x4  }
0x20: {  	v61 =	vshrl.u32 v3, $0x3  }
0x21: {  	v4 =	vmul.u32 $0x1870, v61  }
0x22: {  	v3 =	vand.u32 $0x7, v3  }
0x23: {  	v3 =	vor.u32 v3, v4  }
0x24: {  	v3 =	vperm.xlane v3, v0;
	_ =	sdelay $0x1  }
0x25: {  	v3 =	vadd.s32 v1, v3;
	_ =	sdelay $0x4  }
0x26: {  	[tilespmem:s18], [sflag:$0x2] =	stream.indirect_vreg.gather [hbm4b:s10+s3], $0x80, v3, vm2, $0xb8;
	[tilespmem:$0x7D80] =	vst v63  }
0x27: {  	v3 =	vld.msk [tilespmem:$0x0], $0x1;
	_ =	sdelay $0x4  }
0x28: {  	v62 =	vshrl.u32 v3, $0x3  }
0x29: {  	v4 =	vmul.u32 $0x1870, v62  }
0x2a: {  	v3 =	vand.u32 $0x7, v3  }
0x2b: {  	v3 =	vor.u32 v3, v4  }
0x2c: {  	v3 =	vperm.xlane v3, v0;
	_ =	sdelay $0x1  }
0x2d: {  	v3 =	vadd.s32 v1, v3;
	_ =	sdelay $0x4  }
0x2e: {  	[tilespmem:s20], [sflag:$0x3] =	stream.indirect_vreg.gather [hbm4b:s19+s3], $0x80, v3, vm2, $0xb8;
	[tilespmem:$0x7D80] =	vst v63  }
0x2f: {  	v3 =	vld.msk [tilespmem:$0x0], $0x1;
	_ =	sdelay $0x4  }
0x30: {  	v63 =	vshrl.u32 v3, $0x3  }
0x31: {  	v4 =	vmul.u32 $0x1870, v63  }
0x32: {  	v3 =	vand.u32 $0x7, v3  }
0x33: {  	v3 =	vor.u32 v3, v4  }
0x34: {  	v3 =	vperm.xlane v3, v0;
	_ =	sdelay $0x1  }
0x35: {  	v3 =	vadd.s32 v1, v3;
	_ =	sdelay $0x4  }
0x36: {  	[tilespmem:s22], [sflag:$0x4] =	stream.indirect_vreg.gather [hbm4b:s21+s3], $0x80, v3, vm2, $0xb8;
	[tilespmem:$0x7D80] =	vst v63  }
0x37: {  	_ =	swait.ge [sflag:s23], $0x900  }
0x38: {  	[sflag:s23] =	ssyncset.done $0x0  }
0x39: {  	[sflag:s23] =	ssyncadd.s32 $0xFFFFF700  }
0x3a: {  	_ =	swait.ge [sflag:s24], $0x300  }
0x3b: {  	[sflag:s24] =	ssyncset.done $0x0  }
0x3c: {  	[sflag:s24] =	ssyncadd.s32 $0xFFFFFD00  }
0x3d: {  	_ =	swait.ge [sflag:s25], $0x300  }
.Ltmp1:
0x3e: {  	[sflag:s25] =	ssyncset.done $0x0;
	(pc) =	sbr.rel .LBB2_4-.Ltmp1, $4  }
0x3f: {  	[sflag:s25] =	ssyncadd.s32 $0xFFFFFD00  }
0x40: {  	_ =	swait.ge [sflag:s26], $0x300  }
0x41: {  	[sflag:s26] =	ssyncset.done $0x0  }
0x42: {  	s2 =	simm.s32 $0x30;
	[sflag:s26] =	ssyncadd.s32 $0xFFFFFD00  }
.LBB2_2:
0x43: {  	v3 =	vld.msk [tilespmem:$0x0], $0x1;
	_ =	sdelay $0x4  }
0x44: {  	v4 =	vshrl.u32 v3, $0x3  }
0x45: {  	v4 =	vmul.u32 $0x4940, v4  }
0x46: {  	v3 =	vand.u32 $0x7, v3  }
0x47: {  	v3 =	vor.u32 v3, v4  }
0x48: {  	v3 =	vperm.xlane v3, v0;
	_ =	sdelay $0x1  }
0x49: {  	v3 =	vadd.s32 v1, v3;
	_ =	sdelay $0x4  }
0x4a: {  	[tilespmem:s15], [sflag:$0x1] =	stream.indirect_vreg.gather [hbm4b:s5+s3], $0x80, v3, vm0, $0xb8;
	[tilespmem:$0x7D80] =	vst v63  }
0x4b: {  	s0 =	sadd.s32 $0x800, s5;
	s1 =	simm.s32 $0x880  }
0x4c: {  	[tilespmem:s1], [sflag:$0x1] =	stream.indirect_vreg.gather [hbm4b:s0+s3], $0x80, v3, vm0, $0xb8;
	[tilespmem:$0x7D80] =	vst v63  }
0x4d: {  	s2 =	simm.s32 $0x1080;
	s1 =	sadd.s32 $0x1000, s5  }
0x4e: {  	[tilespmem:s2], [sflag:$0x1] =	stream.indirect_vreg.gather [hbm4b:s1+s3], $0x80, v3, vm0, $0xb8;
	[tilespmem:$0x7D80] =	vst v63  }
0x4f: {  	s17 =	sadd.s32 $0x1800, s5;
	s29 =	simm.s32 $0x1880  }
0x50: {  	[tilespmem:s29], [sflag:$0x1] =	stream.indirect_vreg.gather [hbm4b:s17+s3], $0x80, v3, vm0, $0xb8;
	[tilespmem:$0x7D80] =	vst v63  }
0x51: {  	s30 =	sadd.s32 $0x2000, s5;
	s31 =	simm.s32 $0x2080  }
0x52: {  	[tilespmem:s31], [sflag:$0x1] =	stream.indirect_vreg.gather [hbm4b:s30+s3], $0x80, v3, vm3, $0xb8;
	[tilespmem:$0x7D80] =	vst v63  }
0x53: {  	v3 =	vld.msk [tilespmem:$0x0], $0x1;
	_ =	sdelay $0x4  }
0x54: {  	v61 =	vshrl.u32 v3, $0x3  }
0x55: {  	v4 =	vmul.u32 $0x1870, v61  }
0x56: {  	v3 =	vand.u32 $0x7, v3  }
0x57: {  	v3 =	vor.u32 v3, v4  }
0x58: {  	v3 =	vperm.xlane v3, v0;
	_ =	sdelay $0x1  }
0x59: {  	v3 =	vadd.s32 v1, v3;
	_ =	sdelay $0x4  }
0x5a: {  	[tilespmem:s18], [sflag:$0x2] =	stream.indirect_vreg.gather [hbm4b:s6+s3], $0x80, v3, vm0, $0xb8;
	[tilespmem:$0x7D80] =	vst v63  }
0x5b: {  	s1 =	sadd.s32 $0x800, s6;
	s2 =	simm.s32 $0x2E00  }
0x5c: {  	[tilespmem:s2], [sflag:$0x2] =	stream.indirect_vreg.gather [hbm4b:s1+s3], $0x80, v3, vm4, $0xb8;
	[tilespmem:$0x7D80] =	vst v63  }
0x5d: {  	v3 =	vld.msk [tilespmem:$0x0], $0x1;
	_ =	sdelay $0x4  }
0x5e: {  	v62 =	vshrl.u32 v3, $0x3  }
0x5f: {  	v4 =	vmul.u32 $0x1870, v62  }
0x60: {  	v3 =	vand.u32 $0x7, v3  }
0x61: {  	v3 =	vor.u32 v3, v4  }
0x62: {  	v3 =	vperm.xlane v3, v0;
	_ =	sdelay $0x1  }
0x63: {  	v3 =	vadd.s32 v1, v3;
	_ =	sdelay $0x3  }
0x64: {  	s17 =	sadd.s32 s4, s7  }
0x65: {  	[tilespmem:s20], [sflag:$0x3] =	stream.indirect_vreg.gather [hbm4b:s17+s3], $0x80, v3, vm0, $0xb8;
	[tilespmem:$0x7D80] =	vst v63  }
0x66: {  	s29 =	simm.s32 $0x3A80;
	s0 =	sadd.s32 $0x800, s17  }
0x67: {  	[tilespmem:s29], [sflag:$0x3] =	stream.indirect_vreg.gather [hbm4b:s0+s3], $0x80, v3, vm4, $0xb8;
	[tilespmem:$0x7D80] =	vst v63  }
0x68: {  	v3 =	vld.msk [tilespmem:$0x0], $0x1;
	_ =	sdelay $0x4  }
0x69: {  	v63 =	vshrl.u32 v3, $0x3  }
0x6a: {  	v4 =	vmul.u32 $0x1870, v63  }
0x6b: {  	v3 =	vand.u32 $0x7, v3  }
0x6c: {  	v3 =	vor.u32 v3, v4  }
0x6d: {  	v3 =	vperm.xlane v3, v0;
	_ =	sdelay $0x1  }
0x6e: {  	v3 =	vadd.s32 v1, v3;
	_ =	sdelay $0x3  }
0x6f: {  	s30 =	sadd.s32 s4, s8  }
0x70: {  	[tilespmem:s22], [sflag:$0x4] =	stream.indirect_vreg.gather [hbm4b:s30+s3], $0x80, v3, vm0, $0xb8;
	[tilespmem:$0x7D80] =	vst v63  }
0x71: {  	s31 =	simm.s32 $0x4700;
	s0 =	sadd.s32 $0x800, s30  }
0x72: {  	[tilespmem:s31], [sflag:$0x4] =	stream.indirect_vreg.gather [hbm4b:s0+s3], $0x80, v3, vm4, $0xb8;
	[tilespmem:$0x7D80] =	vst v63  }
0x73: {  	_ =	swait.ge [sflag:s23], $0x2580  }
0x74: {  	[sflag:s23] =	ssyncset.done $0x0  }
0x75: {  	[sflag:s23] =	ssyncadd.s32 $0xFFFFDA80  }
0x76: {  	_ =	swait.ge [sflag:s24], $0xC80  }
0x77: {  	[sflag:s24] =	ssyncset.done $0x0  }
0x78: {  	[sflag:s24] =	ssyncadd.s32 $0xFFFFF380  }
0x79: {  	_ =	swait.ge [sflag:s25], $0xC80  }
0x7a: {  	[sflag:s25] =	ssyncset.done $0x0  }
0x7b: {  	[sflag:s25] =	ssyncadd.s32 $0xFFFFF380  }
0x7c: {  	_ =	swait.ge [sflag:s26], $0xC80  }
0x7d: {  	[sflag:s26] =	ssyncset.done $0x0  }
0x7e: {  	s2 =	simm.s32 $0xC8;
	[sflag:s26] =	ssyncadd.s32 $0xFFFFF380  }
.LBB2_4:
0x7f: {  	s0 =	simm.s32 $0x0  }
0x80: {  	v3 =	vadd.s32 s0, v2;
	_ =	sdelay $0x2  }
0x81: {  	s1 =	simm.s32 $0x0  }
0x82: {  	v4 =	vld [tilespmem:s1+$0x2600]  }
0x83: {  	v3 =	vld.idx.msk [tilespmem:v3+s15+$0x0], $0xffff;
	_ =	sdelay $0x1  }
0x84: {  	s17 =	simm.s32 $0x1  }
0x85: {  	v5 =	vadd.s32 s17, v2  }
0x86: {  	s29 =	simm.s32 $0x0  }
0x87: {  	s17 =	sand.u32 $0x70, s29;
	s30 =	sand.u32 $0xFFFFFE00, s29;
	v3 =	vadd.f32 v4, v3  }
0x88: {  	s0 =	sor.u32 s17, s30  }
0x89: {  	[tilespmem:s0+$0x4B80] =	vst v3  }
0x8a: {  	v3 =	vld.idx.msk [tilespmem:v5+s15+$0x0], $0xffff  }
0x8b: {  	v4 =	vld [tilespmem:s1+$0x3280];
	_ =	sdelay $0x1  }
0x8c: {  	s30 =	simm.s32 $0x2  }
0x8d: {  	v5 =	vadd.s32 s30, v2  }
0x8e: {  	s30 =	sshll.u32 s2, $0x4  }
0x8f: {  	p1 =	sne.s32 s30, $0x10;
	v3 =	vadd.f32 v4, v3  }
.Ltmp2:
0x90: {  	_ = 	snop;
	(pc) =	sbr.rel @!p1 .LBB2_6-.Ltmp2, $4  }
0x91: {  	[tilespmem:s0+$0x4C00] =	vst v3  }
0x92: {  	v3 =	vld.idx.msk [tilespmem:v5+s15+$0x0], $0xffff  }
0x93: {  	v4 =	vld [tilespmem:s1+$0x3F00]  }
0x94: {  	s31 =	simm.s32 $0x10;
	s2 =	simm.s32 $0x32  }
.LBB2_5:
0x95: {  	s1 =	sadd.s32 $0xFFFFFFFE, s2;
	s17 =	smov.u32 s31;
	s31 =	sadd.s32 $0x10, s31  }
0x96: {  	v5 =	vadd.s32 s1, v2;
	p1 =	sne.s32 s30, s31;
	_ =	sdelay $0x1  }
0x97: {  	v3 =	vadd.f32 v4, v3;
	_ =	sdelay $0x1  }
0x98: {  	s29 =	sadd.s32 $0x40, s29;
	[tilespmem:s0+$0x4C80] =	vst v3  }
0x99: {  	s1 =	sshra.s32 s29, $0x2;
	v3 =	vld.idx.msk [tilespmem:v5+s15+$0x0], $0xffff  }
0x9a: {  	v4 =	vld [tilespmem:s1+$0x2600];
	_ =	sdelay $0x1  }
0x9b: {  	s0 =	sadd.s32 $0xFFFFFFFF, s2  }
0x9c: {  	v5 =	vadd.s32 s0, v2;
	_ =	sdelay $0x1  }
0x9d: {  	s0 =	sand.u32 $0x70, s17;
	s17 =	sand.u32 $0xFFFFFE00, s29;
	v3 =	vadd.f32 v4, v3  }
0x9e: {  	s0 =	sor.u32 s0, s17  }
0x9f: {  	[tilespmem:s0+$0x4B80] =	vst v3  }
0xa0: {  	v3 =	vld.idx.msk [tilespmem:v5+s15+$0x0], $0xffff  }
0xa1: {  	v4 =	vld [tilespmem:s1+$0x3280];
	_ =	sdelay $0x2  }
0xa2: {  	v5 =	vadd.s32 s2, v2;
	_ =	sdelay $0x1  }
0xa3: {  	v3 =	vadd.f32 v4, v3  }
.Ltmp3:
0xa4: {  	(pc) =	sbr.rel @p1 .LBB2_5-.Ltmp3, $4  }
0xa5: {  	[tilespmem:s0+$0x4C00] =	vst v3  }
0xa6: {  	v3 =	vld.idx.msk [tilespmem:v5+s15+$0x0], $0xffff  }
0xa7: {  	v4 =	vld [tilespmem:s1+$0x3F00]  }
0xa8: {  	s2 =	sadd.s32 $0x30, s2  }
.LBB2_6:
0xa9: {  	_ =	sdelay $0x2  }
0xaa: {  	v3 =	vadd.f32 v4, v3;
	_ =	sdelay $0x1  }
0xab: {  	s1 =	simm.s32 @p0 $0x4B80;
	[tilespmem:s0+$0x4C80] =	vst v3;
	s0 =	simm.s32 @p0 $0x0  }
0xac: {  	[hbm4b:s12+s0] =	stream.linear.scatter @p0 [tilespmem:s1], [sflag:$0x5], $0xC00, $0x38;
	[tilespmem:$0x7D80] =	vst v63  }
0xad: {  	s0 =	simm.s32 @p0 $0x5  }
0xae: {  	s28 =	sadd.s32 $0x1, s28;
	_ =	swait.ge @p0 [sflag:s0], $0xC00  }
0xaf: {  	p1 =	sne.s32 s28, s13;
	[sflag:s0] =	ssyncset.done @p0 $0x0  }
0xb0: {  	s1 =	simm.s32 @!p0 $0x4B80;
	[sflag:s0] =	ssyncadd.s32 @p0 $0xFFFFF400;
	s0 =	simm.s32 @!p0 $0x0  }
0xb1: {  	[hbm4b:s11+s0] =	stream.linear.scatter @!p0 [tilespmem:s1], [sflag:$0x5], $0x3200, $0x38;
	[tilespmem:$0x7D80] =	vst v63  }
.Ltmp4:
0xb2: {  	_ = 	snop;
	(pc) =	sbr.rel @p1 .LBB2_1-.Ltmp4, $4  }
0xb3: {  	s0 =	simm.s32 @!p0 $0x5  }
0xb4: {  	_ =	swait.ge @!p0 [sflag:s0], $0x3200  }
0xb5: {  	[sflag:s0] =	ssyncset.done @!p0 $0x0  }
0xb6: {  	[sflag:s0] =	ssyncadd.s32 @!p0 $0xFFFFCE00  }
0xb7: {  	_ =	sfence.sel $0x180000  }
0xb8: {  	[bflag:$0x0] =	sbarrier.arrive $0xFFFF  }
0xb9: {  	_ =	strace $0x90000047  }
0xba: {  	s0 =	stileid.u32;
	[bflag:$0x2] =	sbarrier.arrive $0xFFFF  }
0xbb: {  	p0 =	sne.s32 s0, $0x0;
	s0 =	rddreg [dreg:$0x4]  }
0xbc: {  	s0 =	sadd.s32 @!p0 $0x100000, s0  }
0xbd: {  	[sflag:s0] =	ssyncadd.tile.s32 @!p0 $0x1;
	_ =	shalt  }
.Lfunc_end2:
_tile_overlayer_lowered:
.L_overlay_start_2:
0xbe: {  	(tag) =	ssettag $0x2  }
0xbf: {  	s0 =	rddreg [dreg:$0x0];
	s2 =	stileid.u32  }
0xc0: {  	s1 =	rddreg [dreg:$0x1];
	p0 =	sne.s32 s2, $0x0  }
0xc1: {  	s3 =	rddreg [dreg:$0x2];
	[bflag:$0x3] =	sbarrier.arrive $0xFFFF;
	s2 =	simm.s32 @!p0 $0x1C05  }
0xc2: {  	[timem:s3], [sflag:s2] =	dma.local @!p0 [hbm:s0], s1  }
0xc3: {  	s0 =	simm.s32 @!p0 $0x5  }
0xc4: {  	_ =	swait.ge @!p0 [sflag:s0], s1  }
0xc5: {  	s1 =	ssub.s32 @!p0 $0x0, s1;
	[sflag:s0] =	ssyncset.done @!p0 $0x0  }
0xc6: {  	[sflag:s0] =	ssyncadd.s32 @!p0 s1  }
0xc7: {  	[bflag:$0x3] =	sbarrier.arrive $0xFFFF  }
0xc8: {  	_ =	shalt  }

</sc_bundles>
